<compile_context>
chip_gen: v7x
topology: tpu7x:2x2x1
jax: 0.10.2.dev20260603
libtpu: 0.0.44.dev20260713+nightly
codegen_flags: <defaults>
</compile_context>

<pallas_src>
import jax
import jax.numpy as jnp
import numpy as np
from jax.experimental import pallas as pl

_F = 6600
_J = 22
_TN = 40
_G = 8
_W = _G * _TN * _J
_A = _G * _J
_R_BLK = 165
_NR = _F // (_G * _R_BLK)


def _fwd_kernel(fr_ref, flx_ref, fly_ref, tpat_ref, e_ref,
                sig_ref, amax_ref, smax_ref, reax_ref, out_ref):
    fr = fr_ref[0]
    x = fr[:, 1:2]
    y = fr[:, 2:3]
    vx = fr[:, 3:4]
    vy = fr[:, 4:5]
    ax = fr[:, 5:6]
    ay = fr[:, 6:7]

    sigma = sig_ref[0, 0]
    a_max = amax_ref[0, 0]
    s_max = smax_ref[0, 0]
    reax_t = reax_ref[0, 0]

    vxr = ax * reax_t + vx
    vyr = ay * reax_t + vy
    xr = x + vx * reax_t + 0.5 * ax * reax_t * reax_t
    yr = y + vy * reax_t + 0.5 * ay * reax_t * reax_t

    flx = flx_ref[0]
    fly = fly_ref[0]

    dx = flx - xr
    dy = fly - yr
    dmag = jnp.sqrt(dx * dx + dy * dy)
    s0 = jnp.clip((dx * vxr + dy * vyr) / dmag, -s_max, s_max)
    t_lt = (s_max - s0) / a_max
    d_lt = t_lt * (s0 + s_max) * 0.5
    soa = s0 / a_max
    t_lt = jnp.where(d_lt > dmag,
                     -soa + jnp.sqrt(soa * soa + 2.0 * dmag / a_max),
                     t_lt)
    d_lt = jnp.maximum(jnp.minimum(d_lt, dmag), 0.0)
    t_tot = reax_t + t_lt + (dmag - d_lt) / s_max

    kk = (jnp.pi / jnp.sqrt(3.0)) / sigma
    z = kk * t_tot

    z_hi = z.astype(jnp.bfloat16)
    z_lo = (z - z_hi.astype(jnp.float32)).astype(jnp.bfloat16)
    e = e_ref[...]
    dn = (((0,), (0,)), ((), ()))
    zexp = (jax.lax.dot_general(z_hi, e, dn,
                                preferred_element_type=jnp.float32)
            + jax.lax.dot_general(z_lo, e, dn,
                                  preferred_element_type=jnp.float32))

    u = kk * tpat_ref[...] - zexp
    out_ref[0, 0] = jax.nn.sigmoid(u)


def kernel(frame, tti_sigma, a_max, s_max, reax_t):
    B = frame.shape[0]

    x = np.linspace(0.5, 119.5, 120, dtype=np.float32)
    y = np.linspace(-0.5, 53.5, 55, dtype=np.float32)
    y[0] = -0.2
    yy, xx = np.meshgrid(y, x, indexing='ij')
    flx_flat = xx.reshape(_F).astype(np.float32)
    fly_flat = yy.reshape(_F).astype(np.float32)

    a_idx = np.arange(_A)
    r_idx = np.arange(_NR * _R_BLK)
    fidx = _G * r_idx[None, :] + (a_idx // _J)[:, None]
    flx_pat = jnp.asarray(
        flx_flat[fidx].reshape(_A, _NR, _R_BLK).transpose(1, 0, 2))
    fly_pat = jnp.asarray(
        fly_flat[fidx].reshape(_A, _NR, _R_BLK).transpose(1, 0, 2))

    T = np.linspace(0.1, 4.0, _TN, dtype=np.float32)
    q = np.arange(_W)
    tpat = jnp.asarray(T[(q % (_TN * _J)) // _J].reshape(1, _W))
    e = jnp.asarray(
        ((q[None, :] // (_TN * _J) == (a_idx // _J)[:, None])
         & (q[None, :] % _J == (a_idx % _J)[:, None])), dtype=jnp.bfloat16)

    frame_t = jnp.tile(frame, (1, _G, 1))

    def s11(v):
        return jnp.asarray(v, jnp.float32).reshape(1, 1)

    out = pl.pallas_call(
        _fwd_kernel,
        grid=(B, _NR),
        in_specs=[
            pl.BlockSpec((1, _A, 12), lambda b, f: (b, 0, 0)),
            pl.BlockSpec((1, _A, _R_BLK), lambda b, f: (f, 0, 0)),
            pl.BlockSpec((1, _A, _R_BLK), lambda b, f: (f, 0, 0)),
            pl.BlockSpec((1, _W), lambda b, f: (0, 0)),
            pl.BlockSpec((_A, _W), lambda b, f: (0, 0)),
            pl.BlockSpec((1, 1), lambda b, f: (0, 0)),
            pl.BlockSpec((1, 1), lambda b, f: (0, 0)),
            pl.BlockSpec((1, 1), lambda b, f: (0, 0)),
            pl.BlockSpec((1, 1), lambda b, f: (0, 0)),
        ],
        out_specs=pl.BlockSpec((1, 1, _R_BLK, _W), lambda b, f: (b, f, 0, 0)),
        out_shape=jax.ShapeDtypeStruct((B, _NR, _R_BLK, _W), jnp.float32),
    )(frame_t, flx_pat, fly_pat, tpat, e,
      s11(tti_sigma), s11(a_max), s11(s_max), s11(reax_t))

    return out.reshape(B, _F, _TN, _J)

# --- scband reference (transcript-rebuilt; emitter-appended) ---
"""Pipeline reference for scband-comp-prob-model-44959717655006 (READ-ONLY COPY).

The authoritative reference and input builder live on the scoring server;
editing this copy changes nothing except your own understanding.
"""

import jax, jax.numpy as jnp
import numpy as np

def _field_locs():
    x = jnp.linspace(0.5, 119.5, 120).astype(jnp.float32)
    y = jnp.linspace(-0.5, 53.5, 55).astype(jnp.float32)
    y = y.at[0].set(-0.2)
    yy, xx = jnp.meshgrid(y, x, indexing='ij')
    return jnp.stack((xx, yy), axis=-1).reshape(-1, 2)

def _forward(frame, tti_sigma, a_max, s_max, reax_t):
    field_locs = _field_locs()
    T = jnp.linspace(0.1, 4.0, 40).astype(jnp.float32)
    v_x_r = frame[:, :, 5] * reax_t + frame[:, :, 3]
    v_y_r = frame[:, :, 6] * reax_t + frame[:, :, 4]
    x_r = frame[:, :, 1] + frame[:, :, 3] * reax_t + 0.5 * frame[:, :, 5] * reax_t ** 2
    y_r = frame[:, :, 2] + frame[:, :, 4] * reax_t + 0.5 * frame[:, :, 6] * reax_t ** 2
    rp_locs = jnp.stack([x_r, y_r], axis=-1)
    rp_vels = jnp.stack([v_x_r, v_y_r], axis=-1)
    int_d_vec = field_locs[None, :, None, :] - rp_locs[:, None, :, :]
    int_d_mag = jnp.linalg.norm(int_d_vec, axis=-1)
    sm = jax.lax.stop_gradient(s_max)
    int_s0 = jnp.clip(jnp.sum(int_d_vec * rp_vels[:, None, :, :], axis=-1) / int_d_mag, -sm, sm)
    t_lt_smax = (s_max - int_s0) / a_max
    d_lt_smax = t_lt_smax * ((int_s0 + s_max) / 2.0)
    t_lt_smax = jnp.where(d_lt_smax > int_d_mag, -int_s0 / a_max + jnp.sqrt((int_s0 / a_max) ** 2 + 2.0 * int_d_mag / a_max), t_lt_smax)
    d_lt_smax = jnp.maximum(jnp.minimum(d_lt_smax, int_d_mag), 0.0)
    d_at_smax = int_d_mag - d_lt_smax
    t_at_smax = d_at_smax / s_max
    t_tot = reax_t + t_lt_smax + t_at_smax
    p_int = jax.nn.sigmoid((jnp.pi / jnp.sqrt(3.0) / tti_sigma) * (T[None, None, :, None] - t_tot[:, :, None, :]))
    return p_int

def setup_inputs(seed: int = 0):
    key = jax.random.key(seed)
    B, J = 4, 22
    frame = jax.random.normal(jax.random.fold_in(key, 0), (B, J, 12), dtype=jnp.float32)
    frame = frame.at[:, :, 1].set(jax.random.uniform(jax.random.fold_in(key, 1), (B, J)) * 100.0 + 10.0)
    frame = frame.at[:, :, 2].set(jax.random.uniform(jax.random.fold_in(key, 2), (B, J)) * 50.0 + 1.0)
    frame = frame.at[:, :, 3].set(jax.random.normal(jax.random.fold_in(key, 3), (B, J)) * 3.0)
    frame = frame.at[:, :, 4].set(jax.random.normal(jax.random.fold_in(key, 4), (B, J)) * 3.0)
    frame = frame.at[:, :, 5].set(jax.random.normal(jax.random.fold_in(key, 5), (B, J)) * 2.0)
    frame = frame.at[:, :, 6].set(jax.random.normal(jax.random.fold_in(key, 6), (B, J)) * 2.0)
    frame = frame.at[:, :, 7].set((jax.random.uniform(jax.random.fold_in(key, 7), (B, J)) > 0.5).astype(jnp.float32))
    return {
        'frame': frame,
        'tti_sigma': jnp.array(0.5, dtype=jnp.float32),
        'a_max': jnp.array(7.25, dtype=jnp.float32),
        's_max': jnp.array(9.25, dtype=jnp.float32),
        'reax_t': jnp.array(0.2, dtype=jnp.float32),
    }

def reference(frame, tti_sigma, a_max, s_max, reax_t):
    return _forward(frame, tti_sigma, a_max, s_max, reax_t)

if __name__ == "__main__":
    import jax
    _d = setup_inputs()
    print(jax.jit(kernel)(*tuple(_d.values())))

</pallas_src>

<mosaic_0001>
module attributes {stable_mosaic.version = 14 : i64} {
  func.func @_fwd_kernel(%arg0: i32, %arg1: i32, %arg2: memref<1x176x12xf32, #tpu.memory_space<vmem>>, %arg3: memref<1x176x165xf32, #tpu.memory_space<vmem>>, %arg4: memref<1x176x165xf32, #tpu.memory_space<vmem>>, %arg5: memref<1x7040xf32, #tpu.memory_space<vmem>>, %arg6: memref<176x7040xbf16, #tpu.memory_space<vmem>>, %arg7: memref<1x1xf32, #tpu.memory_space<vmem>>, %arg8: memref<1x1xf32, #tpu.memory_space<vmem>>, %arg9: memref<1x1xf32, #tpu.memory_space<vmem>>, %arg10: memref<1x1xf32, #tpu.memory_space<vmem>>, %arg11: memref<1x1x165x7040xf32, #tpu.memory_space<vmem>>) attributes {dimension_semantics = [#tpu.dimension_semantics<arbitrary>, #tpu.dimension_semantics<arbitrary>], iteration_bounds = array<i64: 4, 5>, scalar_prefetch = 0 : i64, scratch_operands = 0 : i64, tpu.core_type = #tpu.core_type<tc>, window_params = [{transform_indices = @transform_0, window_bounds = array<i64: 1, 176, 12>}, {transform_indices = @transform_1, window_bounds = array<i64: 1, 176, 165>}, {transform_indices = @transform_2, window_bounds = array<i64: 1, 176, 165>}, {pipeline_mode = #tpu.pipeline_mode<synchronous>, transform_indices = @transform_3, window_bounds = array<i64: 1, 7040>}, {pipeline_mode = #tpu.pipeline_mode<synchronous>, transform_indices = @transform_4, window_bounds = array<i64: 176, 7040>}, {pipeline_mode = #tpu.pipeline_mode<synchronous>, transform_indices = @transform_5, window_bounds = array<i64: 1, 1>}, {pipeline_mode = #tpu.pipeline_mode<synchronous>, transform_indices = @transform_6, window_bounds = array<i64: 1, 1>}, {pipeline_mode = #tpu.pipeline_mode<synchronous>, transform_indices = @transform_7, window_bounds = array<i64: 1, 1>}, {pipeline_mode = #tpu.pipeline_mode<synchronous>, transform_indices = @transform_8, window_bounds = array<i64: 1, 1>}, {transform_indices = @transform_9, window_bounds = array<i64: 1, 1, 165, 7040>}]} {
    %get3A = arith.constant 0 : index
    %get3A_0 = arith.constant 0 : index
    %get3A_1 = arith.constant 0 : index
    %get3A_2 = vector.load %arg2[%get3A, %get3A_0, %get3A_1] : memref<1x176x12xf32, #tpu.memory_space<vmem>>, vector<1x176x12xf32>
    %get3A_3 = vector.shape_cast %get3A_2 : vector<1x176x12xf32> to vector<176x12xf32>
    %slice3A = vector.extract_strided_slice %get3A_3 {offsets = [0, 1], sizes = [176, 1], strides = [1, 1]} : vector<176x12xf32> to vector<176x1xf32>
    %slice3A_4 = vector.extract_strided_slice %get3A_3 {offsets = [0, 2], sizes = [176, 1], strides = [1, 1]} : vector<176x12xf32> to vector<176x1xf32>
    %slice3A_5 = vector.extract_strided_slice %get3A_3 {offsets = [0, 3], sizes = [176, 1], strides = [1, 1]} : vector<176x12xf32> to vector<176x1xf32>
    %slice3A_6 = vector.extract_strided_slice %get3A_3 {offsets = [0, 4], sizes = [176, 1], strides = [1, 1]} : vector<176x12xf32> to vector<176x1xf32>
    %slice3A_7 = vector.extract_strided_slice %get3A_3 {offsets = [0, 5], sizes = [176, 1], strides = [1, 1]} : vector<176x12xf32> to vector<176x1xf32>
    %slice3A_8 = vector.extract_strided_slice %get3A_3 {offsets = [0, 6], sizes = [176, 1], strides = [1, 1]} : vector<176x12xf32> to vector<176x1xf32>
    %get3A_9 = arith.constant 0 : index
    %get3A_10 = arith.constant 0 : index
    %get3A_11 = vector.load %arg7[%get3A_9, %get3A_10] : memref<1x1xf32, #tpu.memory_space<vmem>>, vector<1x1xf32>
    %get3A_12 = vector.extract %get3A_11[0, 0] : f32 from vector<1x1xf32>
    %get3A_13 = arith.constant 0 : index
    %get3A_14 = arith.constant 0 : index
    %get3A_15 = vector.load %arg8[%get3A_13, %get3A_14] : memref<1x1xf32, #tpu.memory_space<vmem>>, vector<1x1xf32>
    %get3A_16 = vector.extract %get3A_15[0, 0] : f32 from vector<1x1xf32>
    %get3A_17 = arith.constant 0 : index
    %get3A_18 = arith.constant 0 : index
    %get3A_19 = vector.load %arg9[%get3A_17, %get3A_18] : memref<1x1xf32, #tpu.memory_space<vmem>>, vector<1x1xf32>
    %get3A_20 = vector.extract %get3A_19[0, 0] : f32 from vector<1x1xf32>
    %get3A_21 = arith.constant 0 : index
    %get3A_22 = arith.constant 0 : index
    %get3A_23 = vector.load %arg10[%get3A_21, %get3A_22] : memref<1x1xf32, #tpu.memory_space<vmem>>, vector<1x1xf32>
    %get3A_24 = vector.extract %get3A_23[0, 0] : f32 from vector<1x1xf32>
    %mul3A = vector.broadcast %get3A_24 : f32 to vector<176x1xf32>
    %mul3A_25 = arith.mulf %slice3A_7, %mul3A : vector<176x1xf32>
    %add3A = arith.addf %mul3A_25, %slice3A_5 : vector<176x1xf32>
    %mul3A_26 = vector.broadcast %get3A_24 : f32 to vector<176x1xf32>
    %mul3A_27 = arith.mulf %slice3A_8, %mul3A_26 : vector<176x1xf32>
    %add3A_28 = arith.addf %mul3A_27, %slice3A_6 : vector<176x1xf32>
    %mul3A_29 = vector.broadcast %get3A_24 : f32 to vector<176x1xf32>
    %mul3A_30 = arith.mulf %slice3A_5, %mul3A_29 : vector<176x1xf32>
    %add3A_31 = arith.addf %slice3A, %mul3A_30 : vector<176x1xf32>
    %mul3A_32 = arith.constant 5.000000e-01 : f32
    %mul3A_33 = vector.broadcast %mul3A_32 : f32 to vector<176x1xf32>
    %mul3A_34 = arith.mulf %mul3A_33, %slice3A_7 : vector<176x1xf32>
    %mul3A_35 = vector.broadcast %get3A_24 : f32 to vector<176x1xf32>
    %mul3A_36 = arith.mulf %mul3A_34, %mul3A_35 : vector<176x1xf32>
    %mul3A_37 = vector.broadcast %get3A_24 : f32 to vector<176x1xf32>
    %mul3A_38 = arith.mulf %mul3A_36, %mul3A_37 : vector<176x1xf32>
    %add3A_39 = arith.addf %add3A_31, %mul3A_38 : vector<176x1xf32>
    %mul3A_40 = vector.broadcast %get3A_24 : f32 to vector<176x1xf32>
    %mul3A_41 = arith.mulf %slice3A_6, %mul3A_40 : vector<176x1xf32>
    %add3A_42 = arith.addf %slice3A_4, %mul3A_41 : vector<176x1xf32>
    %mul3A_43 = arith.constant 5.000000e-01 : f32
    %mul3A_44 = vector.broadcast %mul3A_43 : f32 to vector<176x1xf32>
    %mul3A_45 = arith.mulf %mul3A_44, %slice3A_8 : vector<176x1xf32>
    %mul3A_46 = vector.broadcast %get3A_24 : f32 to vector<176x1xf32>
    %mul3A_47 = arith.mulf %mul3A_45, %mul3A_46 : vector<176x1xf32>
    %mul3A_48 = vector.broadcast %get3A_24 : f32 to vector<176x1xf32>
    %mul3A_49 = arith.mulf %mul3A_47, %mul3A_48 : vector<176x1xf32>
    %add3A_50 = arith.addf %add3A_42, %mul3A_49 : vector<176x1xf32>
    %get3A_51 = arith.constant 0 : index
    %get3A_52 = arith.constant 0 : index
    %get3A_53 = arith.constant 0 : index
    %get3A_54 = vector.load %arg3[%get3A_51, %get3A_52, %get3A_53] : memref<1x176x165xf32, #tpu.memory_space<vmem>>, vector<1x176x165xf32>
    %get3A_55 = vector.shape_cast %get3A_54 : vector<1x176x165xf32> to vector<176x165xf32>
    %get3A_56 = arith.constant 0 : index
    %get3A_57 = arith.constant 0 : index
    %get3A_58 = arith.constant 0 : index
    %get3A_59 = vector.load %arg4[%get3A_56, %get3A_57, %get3A_58] : memref<1x176x165xf32, #tpu.memory_space<vmem>>, vector<1x176x165xf32>
    %get3A_60 = vector.shape_cast %get3A_59 : vector<1x176x165xf32> to vector<176x165xf32>
    %sub3A = vector.broadcast %add3A_39 : vector<176x1xf32> to vector<176x165xf32>
    %sub3A_61 = arith.subf %get3A_55, %sub3A : vector<176x165xf32>
    %sub3A_62 = vector.broadcast %add3A_50 : vector<176x1xf32> to vector<176x165xf32>
    %sub3A_63 = arith.subf %get3A_60, %sub3A_62 : vector<176x165xf32>
    %mul3A_64 = arith.mulf %sub3A_61, %sub3A_61 : vector<176x165xf32>
    %mul3A_65 = arith.mulf %sub3A_63, %sub3A_63 : vector<176x165xf32>
    %add3A_66 = arith.addf %mul3A_64, %mul3A_65 : vector<176x165xf32>
    %sqrt3A = math.sqrt %add3A_66 : vector<176x165xf32>
    %mul3A_67 = vector.broadcast %add3A : vector<176x1xf32> to vector<176x165xf32>
    %mul3A_68 = arith.mulf %sub3A_61, %mul3A_67 : vector<176x165xf32>
    %mul3A_69 = vector.broadcast %add3A_28 : vector<176x1xf32> to vector<176x165xf32>
    %mul3A_70 = arith.mulf %sub3A_63, %mul3A_69 : vector<176x165xf32>
    %add3A_71 = arith.addf %mul3A_68, %mul3A_70 : vector<176x165xf32>
    %div3A = arith.divf %add3A_71, %sqrt3A : vector<176x165xf32>
    %neg3A = arith.constant 0.000000e+00 : f32
    %neg3A_72 = arith.subf %neg3A, %get3A_20 : f32
    %max3A = vector.broadcast %neg3A_72 : f32 to vector<176x165xf32>
    %max3A_73 = arith.maximumf %max3A, %div3A : vector<176x165xf32>
    %min3A = vector.broadcast %get3A_20 : f32 to vector<176x165xf32>
    %min3A_74 = arith.minimumf %min3A, %max3A_73 : vector<176x165xf32>
    %sub3A_75 = vector.broadcast %get3A_20 : f32 to vector<176x165xf32>
    %sub3A_76 = arith.subf %sub3A_75, %min3A_74 : vector<176x165xf32>
    %div3A_77 = vector.broadcast %get3A_16 : f32 to vector<176x165xf32>
    %div3A_78 = arith.divf %sub3A_76, %div3A_77 : vector<176x165xf32>
    %add3A_79 = vector.broadcast %get3A_20 : f32 to vector<176x165xf32>
    %add3A_80 = arith.addf %min3A_74, %add3A_79 : vector<176x165xf32>
    %mul3A_81 = arith.mulf %div3A_78, %add3A_80 : vector<176x165xf32>
    %mul3A_82 = arith.constant 5.000000e-01 : f32
    %mul3A_83 = vector.broadcast %mul3A_82 : f32 to vector<176x165xf32>
    %mul3A_84 = arith.mulf %mul3A_81, %mul3A_83 : vector<176x165xf32>
    %div3A_85 = vector.broadcast %get3A_16 : f32 to vector<176x165xf32>
    %div3A_86 = arith.divf %min3A_74, %div3A_85 : vector<176x165xf32>
    %gt3A = arith.cmpf ogt, %mul3A_84, %sqrt3A : vector<176x165xf32>
    %neg3A_87 = arith.constant 0.000000e+00 : f32
    %neg3A_88 = vector.broadcast %neg3A_87 : f32 to vector<176x165xf32>
    %neg3A_89 = arith.subf %neg3A_88, %div3A_86 : vector<176x165xf32>
    %mul3A_90 = arith.mulf %div3A_86, %div3A_86 : vector<176x165xf32>
    %mul3A_91 = arith.constant 2.000000e+00 : f32
    %mul3A_92 = vector.broadcast %mul3A_91 : f32 to vector<176x165xf32>
    %mul3A_93 = arith.mulf %mul3A_92, %sqrt3A : vector<176x165xf32>
    %div3A_94 = vector.broadcast %get3A_16 : f32 to vector<176x165xf32>
    %div3A_95 = arith.divf %mul3A_93, %div3A_94 : vector<176x165xf32>
    %add3A_96 = arith.addf %mul3A_90, %div3A_95 : vector<176x165xf32>
    %sqrt3A_97 = math.sqrt %add3A_96 : vector<176x165xf32>
    %add3A_98 = arith.addf %neg3A_89, %sqrt3A_97 : vector<176x165xf32>
    %select_n3A = arith.select %gt3A, %add3A_98, %div3A_78 : vector<176x165xi1>, vector<176x165xf32>
    %min3A_99 = arith.minimumf %mul3A_84, %sqrt3A : vector<176x165xf32>
    %max3A_100 = arith.constant 0.000000e+00 : f32
    %max3A_101 = vector.broadcast %max3A_100 : f32 to vector<176x165xf32>
    %max3A_102 = arith.maximumf %min3A_99, %max3A_101 : vector<176x165xf32>
    %add3A_103 = vector.broadcast %get3A_24 : f32 to vector<176x165xf32>
    %add3A_104 = arith.addf %add3A_103, %select_n3A : vector<176x165xf32>
    %sub3A_105 = arith.subf %sqrt3A, %max3A_102 : vector<176x165xf32>
    %div3A_106 = vector.broadcast %get3A_20 : f32 to vector<176x165xf32>
    %div3A_107 = arith.divf %sub3A_105, %div3A_106 : vector<176x165xf32>
    %add3A_108 = arith.addf %add3A_104, %div3A_107 : vector<176x165xf32>
    %sqrt3A_109 = arith.constant 3.000000e+00 : f32
    %sqrt3A_110 = math.sqrt %sqrt3A_109 : f32
    %div3A_111 = arith.constant 3.14159274 : f32
    %div3A_112 = arith.divf %div3A_111, %sqrt3A_110 : f32
    %div3A_113 = arith.divf %div3A_112, %get3A_12 : f32
    %mul3A_114 = vector.broadcast %div3A_113 : f32 to vector<176x165xf32>
    %mul3A_115 = arith.mulf %mul3A_114, %add3A_108 : vector<176x165xf32>
    %convert_element_type3A = arith.truncf %mul3A_115 : vector<176x165xf32> to vector<176x165xbf16>
    %convert_element_type3A_116 = arith.extf %convert_element_type3A : vector<176x165xbf16> to vector<176x165xf32>
    %sub3A_117 = arith.subf %mul3A_115, %convert_element_type3A_116 : vector<176x165xf32>
    %convert_element_type3A_118 = arith.truncf %sub3A_117 : vector<176x165xf32> to vector<176x165xbf16>
    %get3A_119 = arith.constant 0 : index
    %get3A_120 = arith.constant 0 : index
    %get3A_121 = vector.load %arg6[%get3A_119, %get3A_120] : memref<176x7040xbf16, #tpu.memory_space<vmem>>, vector<176x7040xbf16>
    %dot_general3A = arith.constant dense<0.000000e+00> : vector<165x7040xf32>
    %dot_general3A_122 = tpu.matmul %convert_element_type3A, %get3A_121, %dot_general3A {dimension_numbers = #tpu.dot_dimension_numbers<[0], [0], [1], [1], [0, 1, 1, 1], [], []>, transpose_lhs_hint = false} : vector<176x165xbf16>, vector<176x7040xbf16>, vector<165x7040xf32> -> vector<165x7040xf32>
    %dot_general3A_123 = arith.constant dense<0.000000e+00> : vector<165x7040xf32>
    %dot_general3A_124 = tpu.matmul %convert_element_type3A_118, %get3A_121, %dot_general3A_123 {dimension_numbers = #tpu.dot_dimension_numbers<[0], [0], [1], [1], [0, 1, 1, 1], [], []>, transpose_lhs_hint = false} : vector<176x165xbf16>, vector<176x7040xbf16>, vector<165x7040xf32> -> vector<165x7040xf32>
    %add3A_125 = arith.addf %dot_general3A_122, %dot_general3A_124 : vector<165x7040xf32>
    %get3A_126 = arith.constant 0 : index
    %get3A_127 = arith.constant 0 : index
    %get3A_128 = vector.load %arg5[%get3A_126, %get3A_127] : memref<1x7040xf32, #tpu.memory_space<vmem>>, vector<1x7040xf32>
    %mul3A_129 = vector.broadcast %div3A_113 : f32 to vector<1x7040xf32>
    %mul3A_130 = arith.mulf %mul3A_129, %get3A_128 : vector<1x7040xf32>
    %sub3A_131 = vector.broadcast %mul3A_130 : vector<1x7040xf32> to vector<165x7040xf32>
    %sub3A_132 = arith.subf %sub3A_131, %add3A_125 : vector<165x7040xf32>
    %logistic3A = arith.negf %sub3A_132 : vector<165x7040xf32>
    %logistic3A_133 = math.exp %logistic3A : vector<165x7040xf32>
    %logistic3A_134 = arith.constant 1.000000e+00 : f32
    %logistic3A_135 = vector.broadcast %logistic3A_134 : f32 to vector<165x7040xf32>
    %logistic3A_136 = arith.addf %logistic3A_135, %logistic3A_133 : vector<165x7040xf32>
    %logistic3A_137 = arith.divf %logistic3A_135, %logistic3A_136 : vector<165x7040xf32>
    %swap3A = arith.constant 0 : index
    %swap3A_138 = arith.constant 0 : index
    %swap3A_139 = arith.constant 0 : index
    %swap3A_140 = arith.constant 0 : index
    %swap3A_141 = vector.load %arg11[%swap3A, %swap3A_138, %swap3A_139, %swap3A_140] : memref<1x1x165x7040xf32, #tpu.memory_space<vmem>>, vector<1x1x165x7040xf32>
    %swap3A_142 = vector.shape_cast %swap3A_141 : vector<1x1x165x7040xf32> to vector<165x7040xf32>
    %swap3A_143 = vector.shape_cast %logistic3A_137 : vector<165x7040xf32> to vector<1x1x165x7040xf32>
    tpu.vector_store %arg11[%swap3A, %swap3A_138, %swap3A_139, %swap3A_140], %swap3A_143 {strides = array<i32>} : memref<1x1x165x7040xf32, #tpu.memory_space<vmem>>, vector<1x1x165x7040xf32>,
    return
  }
  func.func @transform_0(%arg0: i32, %arg1: i32) -> (i32, i32, i32) {
    %c0_i32 = arith.constant 0 : i32
    %c0_i32_0 = arith.constant 0 : i32
    %c0_i32_1 = arith.constant 0 : i32
    return %arg0, %c0_i32, %c0_i32_0 : i32, i32, i32
  }
  func.func @transform_1(%arg0: i32, %arg1: i32) -> (i32, i32, i32) {
    %c0_i32 = arith.constant 0 : i32
    %c0_i32_0 = arith.constant 0 : i32
    %c0_i32_1 = arith.constant 0 : i32
    return %arg1, %c0_i32, %c0_i32_0 : i32, i32, i32
  }
  func.func @transform_2(%arg0: i32, %arg1: i32) -> (i32, i32, i32) {
    %c0_i32 = arith.constant 0 : i32
    %c0_i32_0 = arith.constant 0 : i32
    %c0_i32_1 = arith.constant 0 : i32
    return %arg1, %c0_i32, %c0_i32_0 : i32, i32, i32
  }
  func.func @transform_3(%arg0: i32, %arg1: i32) -> (i32, i32) {
    %c0_i32 = arith.constant 0 : i32
    %c0_i32_0 = arith.constant 0 : i32
    %c0_i32_1 = arith.constant 0 : i32
    return %c0_i32, %c0_i32_0 : i32, i32
  }
  func.func @transform_4(%arg0: i32, %arg1: i32) -> (i32, i32) {
    %c0_i32 = arith.constant 0 : i32
    %c0_i32_0 = arith.constant 0 : i32
    %c0_i32_1 = arith.constant 0 : i32
    return %c0_i32, %c0_i32_0 : i32, i32
  }
  func.func @transform_5(%arg0: i32, %arg1: i32) -> (i32, i32) {
    %c0_i32 = arith.constant 0 : i32
    %c0_i32_0 = arith.constant 0 : i32
    %c0_i32_1 = arith.constant 0 : i32
    return %c0_i32, %c0_i32_0 : i32, i32
  }
  func.func @transform_6(%arg0: i32, %arg1: i32) -> (i32, i32) {
    %c0_i32 = arith.constant 0 : i32
    %c0_i32_0 = arith.constant 0 : i32
    %c0_i32_1 = arith.constant 0 : i32
    return %c0_i32, %c0_i32_0 : i32, i32
  }
  func.func @transform_7(%arg0: i32, %arg1: i32) -> (i32, i32) {
    %c0_i32 = arith.constant 0 : i32
    %c0_i32_0 = arith.constant 0 : i32
    %c0_i32_1 = arith.constant 0 : i32
    return %c0_i32, %c0_i32_0 : i32, i32
  }
  func.func @transform_8(%arg0: i32, %arg1: i32) -> (i32, i32) {
    %c0_i32 = arith.constant 0 : i32
    %c0_i32_0 = arith.constant 0 : i32
    %c0_i32_1 = arith.constant 0 : i32
    return %c0_i32, %c0_i32_0 : i32, i32
  }
  func.func @transform_9(%arg0: i32, %arg1: i32) -> (i32, i32, i32, i32) {
    %c0_i32 = arith.constant 0 : i32
    %c0_i32_0 = arith.constant 0 : i32
    %c0_i32_1 = arith.constant 0 : i32
    return %arg0, %arg1, %c0_i32, %c0_i32_0 : i32, i32, i32, i32
  }
}

</mosaic_0001>

<sc_bundles>
// kernel: sparse-core-data-format-call.cloned.1.call-start
scs
called_computation_lowered:
.L_overlay_start_0:
0x0: {  	s2 =	sld [smem:$0x3FD9]  }
0x1: {  	s3 =	sld [smem:$0x3FFE];
	_ =	sdelay $0x1  }
0x2: {  	s1 =	srdreg.scid  }
0x3: {  	s0 =	sand.u32 $0x1, s1  }
0x4: {  	s18 =	sshll.u32 s0, $0xA;
	s2 =	sadd.s32 s3, s2  }
0x5: {  	s2 =	sadd.s32 s2, s18  }
0x6: {  	[smem:$0x3FC3] =	sst s2  }
0x7: {  	_ = 	snop  }
0x8: {  	s2 =	sld [smem:$0x3FD0];
	(tm) =	ssettm $0x1  }
0x9: {  	s19 =	sld [smem:$0x3FFB];
	_ =	sdelay $0x3  }
0xa: {  	_ =	strace s19  }
0xb: {  	s3 =	sld [smem:$0x3FFC];
	_ =	sdelay $0x3  }
0xc: {  	_ =	strace s3  }
0xd: {  	s3 =	sld [smem:$0x3FFD];
	_ =	sdelay $0x3  }
0xe: {  	_ =	strace s3  }
0xf: {  	_ =	strace $0x8FFFFFFF  }
0x10: {  	s20 =	sld [smem:$0x3FDB];
	_ =	sdelay $0x1  }
0x11: {  	s4 =	simm.s32 $_scs_section_size  }
0x12: {  	s5 =	simm.s32 $_size__tile_overlayer_lowered;
	s6 =	simm.s32 $_tile_overlayer_lowered  }
0x13: {  	s23 =	simm.s32 $0x1BFF;
	s22 =	sshll.u32 s6, $0x1;
	s3 =	sadd.s32 s4, s20  }
0x14: {  	s7 =	simm.s32 $0x0;
	s21 =	sshll.u32 s5, $0x1;
	s5 =	sadd.s32 s22, s3  }
0x15: {  	[timem:s7], [sflag:s23] =	dma.local [hbm:s5], s21  }
0x16: {  	_ =	swait.ge [sflag:s23], s21  }
0x17: {  	s4 =	ssub.s32 $0x0, s21;
	[sflag:s23] =	ssyncset.done $0x0  }
0x18: {  	[sflag:s23] =	ssyncadd.s32 s4;
	_ =	sdelay $0x1  }
0x19: {  	s24 =	simm.s32 $0x1B8B  }
0x1a: {  	_ =	swait.ge [sflag:s24], $0x1  }
0x1b: {  	[sflag:s24] =	ssyncset.done $0x0  }
0x1c: {  	s26 =	simm.s32 $0x1B8E;
	s25 =	sld [smem:$0x3FFE];
	[sflag:s24] =	ssyncadd.s32 $0xFFFFFFFF  }
0x1d: {  	s27 =	simm.s32 $execute0_lowered;
	[smem:$0x3FD2] =	sst s26  }
0x1e: {  	s5 =	sshll.u32 s27, $0x1;
	_ =	strace $0x80000046;
	[dreg:$0x1] =	wrdreg $0xFFFFFFFF  }
0x1f: {  	s28 =	simm.s32 $_size_execute0_lowered;
	s3 =	sadd.s32 s3, s5;
	[dreg:$0x0] =	wrdreg $0x0  }
0x20: {  	s5 =	sshll.u32 s28, $0x1;
	[dreg:$0x2] =	wrdreg s3  }
0x21: {  	[dreg:$0x3] =	wrdreg s5  }
0x22: {  	[dreg:$0x4] =	wrdreg $0xC0  }
0x23: {  	_ =	task [dreg:s7], $0x5FFFF  }
0x24: {  	[dreg:$0x1] =	wrdreg $0xFFFFFFFF  }
0x25: {  	[dreg:$0x0] =	wrdreg $0x60  }
0x26: {  	[dreg:$0x2] =	wrdreg s25  }
0x27: {  	[dreg:$0x3] =	wrdreg s2  }
0x28: {  	[dreg:$0x4] =	wrdreg $0x9  }
0x29: {  	_ =	task.clear_ibuf [dreg:s7], $0x5FFFF;
	_ =	strace $0x90000046  }
0x2a: {  	s29 =	simm.s32 $0x9;
	_ =	strace $0x80000048  }
0x2b: {  	_ =	swait.ge [sflag:s29], $0x1  }
0x2c: {  	[sflag:s29] =	ssyncadd.s32 $0xFFFFFFFF  }
0x2d: {  	_ =	strace $0x90000048  }
0x2e: {  	_ =	sfence  }
0x2f: {  	s30 =	sld [smem:$0x0];
	_ =	sdelay $0x2  }
0x30: {  	s31 =	sshll.u32 s1, $0xD;
	s1 =	sshrl.u32 s1, $0x2  }
0x31: {  	s3 =	sand.u32 $0x4000, s31;
	s1 =	sadd.s32 s1, s30  }
0x32: {  	s0 =	sor.u32 s3, s0;
	s1 =	sshll.u32 s1, $0x11  }
0x33: {  	s0 =	sor.u32 s1, s0  }
0x34: {  	s0 =	sadd.s32 $0x8F2B, s0  }
0x35: {  	[sflag:s0] =	ssyncadd.remote.s32 $0x1  }
0x36: {  	_ =	sfence.sel $0xFFFF  }
0x37: {  	[dreg:$0x0] =	wrdreg $0xFFFFFFFF;
	(pc) =	sbr.abs _section_cstart, $3  }
0x38: {  	[dreg:$0x1] =	wrdreg $0xFFFFFFFF  }
0x39: {  	_ =	task.clear_ibuf [dreg:s7], $0x2FFFF;
	_ =	strace $0x9FFFFFFF  }
0x3a: {  	(tm) =	ssettm $0x7FFFFFFF  }
0x3b: {  	_ =	shalt  }
tec
execute0_lowered:
.L_overlay_start_1:
0x0: {  	(tag) =	ssettag $0x1  }
0x1: {  	s3 =	stileid.u32;
	s0 =	srdreg.scid  }
0x2: {  	s1 =	sshll.u32 s3, $0x5;
	s0 =	sshll.u32 s0, $0x9  }
0x3: {  	s2 =	rddreg [dreg:$0x0];
	s0 =	sor.u32 s1, s0  }
0x4: {  	_ =	strace $0x80000047;
	s29 =	simm.s32 $0x1;
	s14 =	sand.u32 $0x380, s0  }
0x5: {  	s30 =	simm.s32 $0x2;
	s17 =	simm.s32 $0x0;
	s0 =	ssub.s32 $0x1980, s14  }
0x6: {  	s18 =	simm.s32 $0x0;
	s19 =	simm.s32 $0x0;
	s0 =	sshrl.u32 s0, $0xA  }
0x7: {  	s10 =	simm.s32 $0x0;
	s28 =	sadd.s32 $0x2D2E00, s2;
	s0 =	smul.u32 $0x28, s0  }
.Ltmp0:
0x8: {  	s15 =	sand.u32 $0x3, s3;
	[dreg:$0x4] =	wrdreg s28;
	(pc) =	sbr.rel .LBB1_1-.Ltmp0, $4  }
0x9: {  	s11 =	simm.s32 $0x0;
	s13 =	simm.s32 $0x0;
	[dreg:$0x5] =	wrdreg s15  }
0xa: {  	s12 =	simm.s32 $0x0;
	[dreg:$0x3] =	wrdreg s14;
	s31 =	sadd.s32 $0x28, s0  }
0xb: {  	[sflag:s29] =	ssyncpa.u1 $0x0;
	s6 =	sadd.s32 $0x29, s0;
	[dreg:$0x6] =	wrdreg s31  }
0xc: {  	s16 =	simm.s32 $0x0;
	[sflag:s30] =	ssyncpa.u1 $0x0;
	[dreg:$0x7] =	wrdreg s6  }
.LBB1_13:
0xd: {  	s0 =	sshrl.u32 s10, $0x3  }
0xe: {  	s1 =	sshll.u32 s11, $0x3;
	s0 =	smul.u32 $0xD000, s0  }
0xf: {  	s2 =	sshll.u32 s10, $0x7;
	p0 =	sgt.s32 s11, $0x1980;
	s1 =	sand.u32 $0xFFFFFC00, s1  }
0x10: {  	s9 =	sand.u32 $0x380, s2;
	s2 =	smov.u32 s11;
	s0 =	sadd.s32 s1, s0  }
0x11: {  	s3 =	sand.u32 $0x7F, s11;
	s2 =	simm.s32 @!p0 $0x1980;
	s0 =	sor.u32 s9, s0  }
0x12: {  	s2 =	sadd.s32 s22, s2;
	s1 =	sor.u32 s3, s0;
	s0 =	smulhi.u32 $0x4EC4EC4F, s0  }
0x13: {  	s25 =	smul.u32 $0xB2C00, s13;
	s4 =	sadd.s32 $0xFFFFE680, s2;
	s2 =	ssub.s32 $0x1A00, s2  }
0x14: {  	p0 =	sgt.s32 s4, $0x7F;
	s3 =	smulhi.u32 $0x4EC4EC4F, s1;
	s0 =	sshrl.u32 s0, $0xB  }
0x15: {  	s2 =	simm.s32 @p0 $0x0;
	s24 =	smulhi.u32 $0x6666667, s0  }
0x16: {  	s2 =	smul.u32 s2, s20  }
0x17: {  	s3 =	sshrl.u32 s3, $0xB;
	s4 =	smul.u32 $0x28, s24  }
0x18: {  	s26 =	rddreg [dreg:$0x1];
	s29 =	sor.u32 $0x2000, s23;
	s3 =	smul.u32 $0x1A00, s3  }
0x19: {  	s31 =	simm.s32 $0x41000;
	s2 =	smul.u32 s21, s2;
	s0 =	ssub.s32 s0, s4  }
0x1a: {  	s6 =	rddreg [dreg:$0x7];
	s1 =	ssub.s32 s1, s3;
	s0 =	smul.u32 $0x340, s0  }
0x1b: {  	s2 =	smul.u32 $0x16, s2;
	s3 =	sadd.s32 s26, s25;
	s27 =	sand.u32 $0x7, s1  }
0x1c: {  	s1 =	sshrl.u32 s1, $0x3;
	s28 =	sshll.u32 s27, $0x12;
	s0 =	sadd.s32 s0, s3  }
0x1d: {  	s2 =	sand.u32 $0x3FFFFFFE, s2;
	s30 =	sor.u32 $0x80, s28;
	s0 =	sadd.s32 s1, s0  }
0x1e: {  	[hbm4b:s0+s30] =	stream.strided.scatter [tilespmem:s29], [sflag:$0x2], s2, s31, s30, $0x20;
	[tilespmem:$0x4040] =	vst v63  }
.LBB1_14:
0x1f: {  	p0 =	slt.u32 s16, $0x2  }
0x20: {  	p1 =	sgt.s32 @!p0 s19, $0x3  }
0x21: {  	s0 =	smov.u32 s19;
	s1 =	sshra.s32 @!p0 s19, $0x1F;
	p1 =	por !p1, p0  }
0x22: {  	s1 =	sand.u32 @!p0 s1, s19;
	s0 =	simm.s32 @p1 $0x3  }
0x23: {  	s3 =	smov.u32 s17;
	p2 =	sgt.s32 @!p0 s18, $0x1980;
	s0 =	ssub.s32 @!p0 s0, s1  }
0x24: {  	s2 =	sshra.s32 @!p0 s18, $0x1F;
	p2 =	por !p2, p0;
	s1 =	sadd.s32 @!p0 $0xFFFFFFFD, s0  }
0x25: {  	s0 =	ssub.s32 @!p0 $0x4, s0;
	p1 =	sgt.s32 @!p0 s1, $0x0;
	s1 =	smov.u32 s18  }
0x26: {  	s0 =	smul.u32 @!p0 $0x16, s0;
	s1 =	simm.s32 @p2 $0x1980;
	p2 =	sgt.s32 @!p0 s17, $0x27  }
0x27: {  	s2 =	sand.u32 @!p0 s2, s18;
	p1 =	por !p1, p0;
	p2 =	por !p2, p0  }
0x28: {  	s1 =	ssub.s32 @!p0 s1, s2;
	s2 =	sshra.s32 @!p0 s17, $0x1F;
	s0 =	simm.s32 @!p1 $0x0  }
0x29: {  	s3 =	simm.s32 @p2 $0x27;
	s2 =	sand.u32 @!p0 s2, s17;
	s4 =	sadd.s32 @!p0 $0xFFFFE680, s1  }
0x2a: {  	s1 =	ssub.s32 @!p0 $0x1A00, s1;
	s2 =	ssub.s32 @!p0 s3, s2;
	p1 =	sgt.s32 @!p0 s4, $0x7F  }
0x2b: {  	s4 =	smov.u32 s14;
	s3 =	sadd.s32 @!p0 $0xFFFFFFD9, s2;
	p1 =	por !p1, p0  }
0x2c: {  	s2 =	ssub.s32 @!p0 $0x28, s2;
	p2 =	sgt.s32 @!p0 s3, $0x0;
	s1 =	simm.s32 @!p1 $0x0  }
0x2d: {  	p1 =	por !p2, p0;
	s0 =	smul.u32 @!p0 s0, s1;
	s1 =	sadd.s32 $0x1, s12  }
0x2e: {  	s3 =	sadd.s32 $0x400, s14;
	s2 =	simm.s32 @!p1 $0x0;
	p1 =	sgt.s32 s1, $0x27  }
0x2f: {  	s0 =	smul.u32 @!p0 s2, s0;
	s4 =	smov.u32 @p1 s3  }
0x30: {  	s2 =	sadd.s32 $0x4, s15;
	s3 =	smov.u32 s15;
	p2 =	sgt.s32 s4, $0x19C7  }
0x31: {  	s0 =	sand.u32 @!p0 $0x3FFFFFFE, s0;
	s3 =	smov.u32 @p2 s2;
	s2 =	simm.s32 @!p0 $0x2  }
0x32: {  	_ =	swait.ge @!p0 [sflag:s2], s0  }
0x33: {  	s1 =	simm.s32 @p1 $0x0;
	s5 =	rddreg [dreg:$0x3]  }
0x34: {  	p1 =	sgt.s32 s3, $0x3;
	s4 =	smov.u32 @p2 s5;
	s5 =	rddreg [dreg:$0x5]  }
0x35: {  	s3 =	smov.u32 @p1 s5;
	p1 =	sne.s32 s16, s6  }
.Ltmp1:
0x36: {  	s19 =	smov.u32 s13;
	(pc) =	sbr.rel @!p1 .LBB1_15-.Ltmp1, $4  }
0x37: {  	s13 =	smov.u32 s15;
	s18 =	smov.u32 s11;
	s11 =	smov.u32 s14  }
0x38: {  	s17 =	smov.u32 s10;
	s0 =	ssub.s32 @!p0 $0x0, s0;
	[sflag:s2] =	ssyncset.done @!p0 $0x0  }
0x39: {  	s10 =	smov.u32 s12;
	s12 =	smov.u32 s1;
	[sflag:s2] =	ssyncadd.s32 @!p0 s0  }
0x3a: {  	s16 =	sadd.s32 $0x1, s16;
	s14 =	smov.u32 s4;
	s15 =	smov.u32 s3  }
.LBB1_1:
0x3b: {  	s0 =	rddreg [dreg:$0x6]  }
0x3c: {  	p0 =	sge.u32 s16, s0  }
0x3d: {  	s1 =	smov.u32 s15;
	s4 =	smov.u32 s14;
	p1 =	sgt.s32 @!p0 s15, $0x3  }
0x3e: {  	s0 =	sand.u32 @!p0 $0x1FFFFFF, s12;
	s3 =	sshra.s32 @!p0 s15, $0x1F;
	p1 =	por !p1, p0  }
0x3f: {  	s5 =	sshra.s32 @!p0 s14, $0x1F;
	s1 =	simm.s32 @p1 $0x3;
	p1 =	sgt.s32 @!p0 s14, $0x1948  }
0x40: {  	s2 =	smulhi.u32 @!p0 $0x6666667, s0;
	s3 =	sand.u32 @!p0 s3, s15;
	p1 =	por !p1, p0  }
0x41: {  	s5 =	sand.u32 @!p0 s5, s14;
	s1 =	ssub.s32 @!p0 s1, s3;
	s4 =	simm.s32 @p1 $0x1948  }
0x42: {  	p1 =	sgt.s32 @!p0 s12, $0x27;
	s1 =	sadd.s32 @!p0 $0xFFFFFFFD, s1;
	s3 =	ssub.s32 @!p0 s4, s5  }
0x43: {  	p1 =	por !p1, p0;
	s5 =	smov.u32 s12;
	s4 =	sadd.s32 @!p0 $0xFFFFE6B8, s3  }
0x44: {  	s5 =	simm.s32 @p1 $0x27;
	p2 =	sgt.s32 @!p0 s4, $0x7F;
	s4 =	sshra.s32 @!p0 s12, $0x1F  }
0x45: {  	p1 =	sgt.s32 @!p0 s1, $0x0;
	s1 =	sshll.u32 @!p0 s1, $0x5;
	s4 =	sand.u32 @!p0 s4, s12  }
0x46: {  	s3 =	ssub.s32 @!p0 $0x19C8, s3;
	s1 =	ssub.s32 @!p0 $0x20, s1;
	s4 =	ssub.s32 @!p0 s5, s4  }
0x47: {  	p1 =	por !p1, p0;
	p2 =	por !p2, p0;
	s5 =	sadd.s32 @!p0 $0xFFFFFFD9, s4  }
0x48: {  	s1 =	simm.s32 @!p1 $0x0;
	s3 =	simm.s32 @!p2 $0x0;
	p2 =	sgt.s32 @!p0 s5, $0x0  }
0x49: {  	s4 =	ssub.s32 @!p0 $0x28, s4;
	s1 =	smul.u32 @!p0 s3, s1;
	p1 =	por !p2, p0  }
0x4a: {  	s2 =	smul.u32 @!p0 $0x28, s2;
	s4 =	simm.s32 @!p1 $0x0  }
0x4b: {  	s1 =	smul.u32 @!p0 s4, s1  }
0x4c: {  	s0 =	ssub.s32 @!p0 s0, s2;
	s4 =	smul.u32 @!p0 $0x407400, s15  }
0x4d: {  	s2 =	rddreg [dreg:$0x4];
	s3 =	sxor.u32 @!p0 $0xFFFFFFFF, s16;
	s5 =	smul.u32 @!p0 $0x280, s14  }
0x4e: {  	s0 =	sshll.u32 @!p0 s0, $0x4;
	s3 =	sshll.u32 @!p0 s3, $0xC;
	s2 =	sadd.s32 @!p0 s2, s4  }
0x4f: {  	s3 =	sand.u32 @!p0 $0x1000, s3;
	s1 =	sand.u32 @!p0 $0x3FFFFFE0, s1;
	s2 =	sadd.s32 @!p0 s5, s2  }
0x50: {  	s4 =	simm.s32 @!p0 $0x1400;
	s0 =	sadd.s32 @!p0 s0, s2;
	s2 =	simm.s32 @!p0 $0x20  }
0x51: {  	[tilespmem:s3], [sflag:$0x1] =	stream.strided.gather @!p0 [hbm4b:s0+s2], s1, s4, s2, $0x38;
	[tilespmem:$0x4040] =	vst v63  }
0x52: {  	p0 =	seq.s32 s16, $0x0  }
0x53: {  	p1 =	sge.u32 @!p0 s16, s6  }
0x54: {  	p0 =	por p0, p1  }
.Ltmp2:
0x55: {  	_ = 	snop;
	(pc) =	sbr.rel @p0 .LBB1_14-.Ltmp2, $1  }
0x56: {  	_ =	sdelay $0x3  }
0x57: {  	p0 =	sgt.s32 s13, $0x3;
	s0 =	smov.u32 s13;
	s1 =	sshra.s32 s13, $0x1F  }
0x58: {  	s23 =	ssub.s32 $0x0, s11;
	s2 =	sshra.s32 s11, $0x1F;
	p1 =	sgt.s32 s10, $0x27  }
0x59: {  	s3 =	smov.u32 s10;
	s4 =	sshra.s32 s10, $0x1F;
	p2 =	sgt.s32 s11, $0x1948  }
0x5a: {  	s5 =	smov.u32 s11;
	s0 =	simm.s32 @!p0 $0x3;
	s1 =	sand.u32 s1, s13  }
0x5b: {  	s3 =	simm.s32 @!p1 $0x27;
	s4 =	sand.u32 s4, s10;
	s22 =	sand.u32 s23, s2  }
0x5c: {  	s5 =	simm.s32 @!p2 $0x1948;
	s2 =	sadd.s32 $0x1, s13;
	s0 =	ssub.s32 s0, s1  }
0x5d: {  	s24 =	ssub.s32 s3, s4;
	s25 =	sadd.s32 s22, s5;
	s3 =	sadd.s32 $0x80, s11  }
0x5e: {  	s1 =	sadd.s32 $0xFFFFFFFD, s0;
	s20 =	ssub.s32 $0x4, s0;
	s26 =	sadd.s32 $0xFFFFFFD9, s24  }
0x5f: {  	s27 =	sadd.s32 $0xFFFFE6B8, s25;
	s21 =	ssub.s32 $0x28, s24;
	p0 =	sgt.s32 s1, $0x0  }
0x60: {  	s0 =	ssub.s32 $0x19C8, s25;
	s20 =	simm.s32 @p0 $0x0;
	p0 =	sgt.s32 s27, $0x7F  }
0x61: {  	p1 =	sgt.s32 s26, $0x0;
	s0 =	simm.s32 @p0 $0x0;
	p0 =	slt.s32 s2, $0x4  }
0x62: {  	s1 =	sadd.s32 $0x1, s10;
	s2 =	simm.s32 @!p0 $0x4;
	p0 =	slt.s32 s3, $0x19C8  }
0x63: {  	s21 =	simm.s32 @p1 $0x0;
	s24 =	ssub.s32 s2, s13;
	s3 =	simm.s32 @!p0 $0x19C8  }
0x64: {  	p1 =	slt.s32 s1, $0x28;
	s25 =	ssub.s32 s3, s11;
	p0 =	slt.s32 s24, $0x1  }
0x65: {  	s28 =	smul.u32 s20, s21;
	s1 =	simm.s32 @!p1 $0x28;
	p1 =	slt.s32 @!p0 s25, $0x1  }
0x66: {  	s26 =	ssub.s32 s1, s10;
	p1 =	por p0, p1  }
0x67: {  	s0 =	smul.u32 s0, s28;
	p2 =	slt.s32 @!p1 s26, $0x1  }
0x68: {  	p1 =	por p1, p2  }
.Ltmp3:
0x69: {  	s0 =	sshll.u32 s0, $0x5;
	(pc) =	sbr.rel @p1 .LBB1_13-.Ltmp3, $4  }
0x6a: {  	s30 =	simm.s32 $0x1;
	s29 =	sand.u32 $0x3FFFFFE0, s0  }
0x6b: {  	_ =	swait.ge [sflag:s30], s29  }
0x6c: {  	s0 =	sand.u32 $0x1, s16;
	s31 =	ssub.s32 $0x0, s29;
	[sflag:s30] =	ssyncset.done $0x0  }
0x6d: {  	s23 =	smul.u32 $0x1020, s0;
	[sflag:s30] =	ssyncadd.s32 s31  }
.Ltmp4:
0x6e: {  	(pc) =	sbr.rel .LBB1_4-.Ltmp4, $2  }
0x6f: {  	_ =	sdelay $0x2  }
0x70: {  	s27 =	sshll.u32 @!p0 s0, $0xC;
	s29 =	simm.s32 $0x0;
	s28 =	sor.u32 @!p0 $0x2000, s23  }
.LBB1_12:
0x71: {  	s29 =	sadd.s32 $0x1, s29  }
0x72: {  	p0 =	sne.s32 s29, s24  }
.Ltmp5:
0x73: {  	_ = 	snop;
	(pc) =	sbr.rel @!p0 .LBB1_13-.Ltmp5, $1  }
0x74: {  	_ =	sdelay $0x3  }
.LBB1_4:
0x75: {  	s0 =	smul.u32 $0x4080, s29;
	_ =	sdelay $0x1  }
0x76: {  	s1 =	sshll.u32 s29, $0xE;
	s0 =	sshra.s32 s0, $0x2  }
0x77: {  	s1 =	sshra.s32 s1, $0x2;
	s30 =	sadd.s32 s0, s28  }
0x78: {  	s31 =	sadd.s32 s1, s27;
	s0 =	simm.s32 $0x0;
	s1 =	sadd.s32 $0x810, s30  }
.LBB1_5:
0x79: {  	s2 =	sshll.u32 s0, $0x7  }
0x7a: {  	p1 =	sne.s32 s26, $0x1;
	s2 =	sshra.s32 s2, $0x2  }
.Ltmp6:
0x7b: {  	s4 =	sadd.s32 s2, s31;
	(pc) =	sbr.rel @!p1 .LBB1_6-.Ltmp6, $4  }
0x7c: {  	v0 =	vmov s4  }
0x7d: {  	s3 =	sand.u32 $0x7F, s0  }
0x7e: {  	s6 =	simm.s32 $0x0;
	p0 =	por $0x0, $0x0;
	s9 =	sadd.s32 s3, s30  }
0x7f: {  	s5 =	sand.u32 $0xE0, s6;
	s2 =	sadd.s32 s3, s1;
	s4 =	simm.s32 $0x1  }
0x80: {  	_ =	sdelay $0x2  }
0x81: {  	p1 =	sne.s32 s26, $0x2  }
.Ltmp7:
0x82: {  	v1 =	vld.idx.msk [tilespmem:v0+s5+$0x0 ss:$0x1], $0xffff;
	(pc) =	sbr.rel @!p1 .LBB1_8-.Ltmp7, $4  }
0x83: {  	s3 =	sand.u32 $0x7, s6  }
0x84: {  	v2 =	vld.idx.msk [tilespmem:v0+s5+$0x10 ss:$0x1], $0xffff;
	s3 =	smul.u32 $0x81, s3  }
0x85: {  	s7 =	simm.s32 $0x20;
	s6 =	simm.s32 $0x2;
	p0 =	por $0x1, $0x1  }
0x86: {  	s5 =	sand.u32 $0xE0, s7;
	s8 =	sadd.s32 s3, s9;
	s3 =	sadd.s32 s3, s2  }
.LBB1_9:
0x87: {  	[tilespmem:s8+$0x0 ss:$0x81] =	vst.msk $0xffff, v1;
	s8 =	smov.u32 s6;
	s6 =	sadd.s32 $0x1, s6  }
0x88: {  	v1 =	vld.idx.msk [tilespmem:v0+s5+$0x0 ss:$0x1], $0xffff;
	p1 =	sne.s32 s26, s6  }
.Ltmp8:
0x89: {  	[tilespmem:s3+$0x0 ss:$0x81] =	vst.msk $0xffff, v2;
	v2 =	vld.idx.msk [tilespmem:v0+s5+$0x10 ss:$0x1], $0xffff;
	(pc) =	sbr.rel @p1 .LBB1_9-.Ltmp8, $4  }
0x8a: {  	s3 =	sand.u32 $0x7, s4;
	s4 =	smov.u32 s8  }
0x8b: {  	s3 =	smul.u32 $0x81, s3  }
0x8c: {  	s7 =	sadd.s32 $0x20, s7  }
0x8d: {  	s5 =	sand.u32 $0xE0, s7;
	s8 =	sadd.s32 s3, s9;
	s3 =	sadd.s32 s3, s2  }
0x8e: {  	s6 =	smov.u32 s4  }
.LBB1_11:
0x8f: {  	_ =	sdelay $0x3  }
0x90: {  	v3 =	vld.idx.msk [tilespmem:v0+s5+$0x0 ss:$0x1], $0xffff;
	s4 =	sand.u32 $0x7, s6;
	[tilespmem:s8+$0x0 ss:$0x81] =	vst.msk @p0 $0xffff, v1;
	s0 =	sadd.s32 $0x1, s0  }
0x91: {  	v63 =	vld.idx.msk [tilespmem:v0+s5+$0x10 ss:$0x1], $0xffff;
	[tilespmem:s3+$0x0 ss:$0x81] =	vst.msk @p0 $0xffff, v2;
	s4 =	smul.u32 $0x81, s4;
	p0 =	sne.s32 s0, s25  }
.Ltmp9:
0x92: {  	_ = 	snop;
	(pc) =	sbr.rel @p0 .LBB1_5-.Ltmp9, $4  }
.Ltmp10:
0x93: {  	_ = 	snop;
	(pc) =	sbr.rel @!p0 .LBB1_12-.Ltmp10, $4  }
0x94: {  	s9 =	sadd.s32 s4, s9  }
0x95: {  	s2 =	sadd.s32 s4, s2;
	[tilespmem:s9+$0x0 ss:$0x81] =	vst.msk $0xffff, v3  }
0x96: {  	[tilespmem:s2+$0x0 ss:$0x81] =	vst.msk $0xffff, v63  }
0x97: {  	_ = 	snop  }
.LBB1_6:
.Ltmp11:
0x98: {  	(pc) =	sbr.rel .LBB1_11-.Ltmp11, $2  }
0x99: {  	_ =	sdelay $0x2  }
0x9a: {  	_ = 	snop  }
.LBB1_8:
.Ltmp12:
0x9b: {  	(pc) =	sbr.rel .LBB1_11-.Ltmp12, $2  }
0x9c: {  	_ =	sdelay $0x2  }
0x9d: {  	s6 =	simm.s32 $0x1  }
.LBB1_15:
0x9e: {  	_ =	sfence.sel $0x180000  }
0x9f: {  	s0 =	simm.s32 $0x1;
	[bflag:$0x0] =	sbarrier.arrive $0xFFFF  }
0xa0: {  	s30 =	simm.s32 $0x2;
	[sflag:s0] =	ssyncpa.u1 $0x1  }
0xa1: {  	[sflag:s30] =	ssyncpa.u1 $0x1  }
0xa2: {  	_ =	strace $0x90000047  }
0xa3: {  	s31 =	stileid.u32;
	[bflag:$0x2] =	sbarrier.arrive $0xFFFF  }
0xa4: {  	p0 =	sne.s32 s31, $0x0;
	s0 =	rddreg [dreg:$0x2]  }
0xa5: {  	s0 =	sadd.s32 @!p0 $0x100000, s0  }
0xa6: {  	[sflag:s0] =	ssyncadd.tile.s32 @!p0 $0x1;
	_ =	shalt  }
.Lfunc_end1:
_tile_overlayer_lowered:
.L_overlay_start_2:
0xa7: {  	(tag) =	ssettag $0x2  }
0xa8: {  	s0 =	rddreg [dreg:$0x0];
	s2 =	stileid.u32  }
0xa9: {  	s1 =	rddreg [dreg:$0x1];
	p0 =	sne.s32 s2, $0x0  }
0xaa: {  	s3 =	rddreg [dreg:$0x2];
	[bflag:$0x3] =	sbarrier.arrive $0xFFFF;
	s2 =	simm.s32 @!p0 $0x1C01  }
0xab: {  	[timem:s3], [sflag:s2] =	dma.local @!p0 [hbm:s0], s1  }
0xac: {  	s0 =	simm.s32 @!p0 $0x1  }
0xad: {  	_ =	swait.ge @!p0 [sflag:s0], s1  }
0xae: {  	s1 =	ssub.s32 @!p0 $0x0, s1;
	[sflag:s0] =	ssyncset.done @!p0 $0x0  }
0xaf: {  	[sflag:s0] =	ssyncadd.s32 @!p0 s1  }
0xb0: {  	[bflag:$0x3] =	sbarrier.arrive $0xFFFF  }
0xb1: {  	_ =	shalt  }

</sc_bundles>
